<compile_context>
chip_gen: v7x
topology: tpu7x:2x2x1
jax: 0.10.2.dev20260603
libtpu: 0.0.44.dev20260713+nightly
codegen_flags: <defaults>
</compile_context>

<pallas_src>
import functools

import jax
import jax.numpy as jnp
from jax import lax
from jax.experimental import pallas as pl
from jax.experimental.pallas import tpu as pltpu
from jax.experimental.pallas import tpu_sc as plsc

KW_VOCAB = 100
N_CANDIDATES = 100
N_TRIPLES = 1000000
BATCH = 4096

_NC, _NS, _L = 2, 16, 16
_NW = _NC * _NS
_BPW = BATCH // _NW
_CP = 104
_TP = 8
_FIRE = 8


def _sc_retrieve(kw0_hbm, kw1_hbm, kwsm_hbm, triple_hbm, out_hbm,
                 kw0_v, kw1_v, flat_v, cand_v, trip_v, sem_a, sem_b):
    wid = lax.axis_index("s") * _NC + lax.axis_index("c")
    base = wid * _BPW

    pltpu.sync_copy(kw0_hbm.at[pl.ds(base, _BPW)], kw0_v)
    pltpu.sync_copy(kw1_hbm.at[pl.ds(base, _BPW)], kw1_v)

    for i in range(_BPW // _L):
        sl = pl.ds(i * _L, _L)
        flat_v[sl] = kw0_v[sl] * KW_VOCAB + kw1_v[sl]

    pltpu.async_copy(kwsm_hbm.at[flat_v], cand_v, sem_a).wait()

    def body(t, carry):
        s0 = t * _FIRE
        copies = [
            pltpu.async_copy(triple_hbm.at[cand_v.at[s0 + j]],
                             trip_v.at[s0 + j], sem_b)
            for j in range(_FIRE)
        ]
        for c in copies:
            c.wait()
        return carry

    lax.fori_loop(0, _BPW // _FIRE, body, 0)

    pltpu.sync_copy(trip_v, out_hbm.at[pl.ds(base, _BPW)])


def kernel(key_word, triple, kw_to_sm):
    kw32 = key_word.astype(jnp.int32)
    kw0 = kw32[:, 0]
    kw1 = kw32[:, 1]
    spread = (jnp.arange(10000, dtype=jnp.int32)[:, None] * 4
              + jnp.arange(4, dtype=jnp.int32)[None, :]) % N_TRIPLES
    kwsm_p = jnp.concatenate([kw_to_sm.astype(jnp.int32), spread], axis=1)
    trip_p = jnp.pad(triple.astype(jnp.int32), ((0, 0), (0, _TP - 3)))

    mesh = plsc.VectorSubcoreMesh(core_axis_name="c", subcore_axis_name="s")
    run = functools.partial(
        pl.kernel,
        mesh=mesh,
        compiler_params=pltpu.CompilerParams(use_tc_tiling_on_sc=False),
        out_type=jax.ShapeDtypeStruct((BATCH, _CP, _TP), jnp.int32),
        scratch_types=[
            pltpu.VMEM((_BPW,), jnp.int32),
            pltpu.VMEM((_BPW,), jnp.int32),
            pltpu.VMEM((_BPW,), jnp.int32),
            pltpu.VMEM((_BPW, _CP), jnp.int32),
            pltpu.VMEM((_BPW, _CP, _TP), jnp.int32),
            pltpu.SemaphoreType.DMA,
            pltpu.SemaphoreType.DMA,
        ],
    )(_sc_retrieve)
    out_p = run(kw0, kw1, kwsm_p, trip_p)
    return out_p[:, :N_CANDIDATES, :3]

# --- scband reference (transcript-rebuilt; emitter-appended) ---
"""Pipeline reference for scband-knowledge-retrieval-3161095930191 (READ-ONLY COPY).

The authoritative reference and input builder live on the scoring server;
editing this copy changes nothing except your own understanding.
"""

import jax, jax.numpy as jnp
import numpy as np

N_TRIPLES = 1000000
N_CANDIDATES = 100
KW_VOCAB = 100
BATCH = 4096
ENT_VOCAB = 50000


def setup_inputs(seed: int = 0) -> dict:
    key = jax.random.key(seed)
    k1, k2, k3 = jax.random.split(key, 3)
    # forward arg: keyword pairs per sentence
    key_word = jax.random.randint(k1, (BATCH, 2), 0, KW_VOCAB)
    # 'parameter': the knowledge-base triple store (head, relation, tail ids)
    triple = jax.random.randint(k2, (N_TRIPLES, 3), 0, ENT_VOCAB)
    # dense materialization of the kw_to_sm dict: for each (kw0, kw1) pair
    # (flattened as kw0 * KW_VOCAB + kw1) the list of candidate triple indices
    kw_to_sm = jax.random.randint(k3, (KW_VOCAB * KW_VOCAB, N_CANDIDATES), 0, N_TRIPLES)
    return {"key_word": key_word, "triple": triple, "kw_to_sm": kw_to_sm}


def reference(key_word, triple, kw_to_sm):
    # flatten the (kw0, kw1) pair into a single dict key
    flat_key = key_word[:, 0] * KW_VOCAB + key_word[:, 1]          # [B]
    # dict lookup: candidate triple indices per sentence (first n_candidates)
    cand_idx = jnp.take(kw_to_sm, flat_key, axis=0)                # [B, n_candidates]
    # gather the actual triples: candidate[i] = triple[candidate_idx, :]
    candidate = jnp.take(triple, cand_idx, axis=0)                 # [B, n_candidates, 3]
    return candidate

if __name__ == "__main__":
    import jax
    _d = setup_inputs()
    print(jax.jit(kernel)(*tuple(_d.values())))

</pallas_src>

<mosaic_0001>
#map = affine_map<(d0, d1) -> (0)>
#map1 = affine_map<(d0, d1) -> (0, 0)>
#map2 = affine_map<(d0, d1) -> (0, 0, 0)>
module attributes {stable_mosaic.version = 14 : i64} {
  func.func @_sc_retrieve(%arg0: i32, %arg1: i32, %arg2: memref<4096xi32, #tpu.memory_space<hbm>>, %arg3: memref<4096xi32, #tpu.memory_space<hbm>>, %arg4: memref<10000x104xi32, #tpu.memory_space<hbm>>, %arg5: memref<1000000x8xi32, #tpu.memory_space<hbm>>, %arg6: memref<4096x104x8xi32, #tpu.memory_space<hbm>>, %arg7: memref<128xi32, #tpu.memory_space<vmem>>, %arg8: memref<128xi32, #tpu.memory_space<vmem>>, %arg9: memref<128xi32, #tpu.memory_space<vmem>>, %arg10: memref<128x104xi32, #tpu.memory_space<vmem>>, %arg11: memref<128x104x8xi32, #tpu.memory_space<vmem>>, %arg12: memref<!tpu.dma_semaphore, #tpu.memory_space<semaphore_mem>>, %arg13: memref<!tpu.dma_semaphore, #tpu.memory_space<semaphore_mem>>) attributes {dimension_semantics = [#tpu.dimension_semantics<core_parallel>, #tpu.dimension_semantics<subcore_parallel>], iteration_bounds = array<i64: 2, 16>, scalar_prefetch = 0 : i64, scratch_operands = 7 : i64, tpu.core_type = #tpu.core_type<sc_vector_subcore>, window_params = [{transform_indices = #map}, {transform_indices = #map}, {transform_indices = #map1}, {transform_indices = #map1}, {transform_indices = #map2}]} {
    %mul3A = arith.constant 2 : i32
    %mul3A_0 = arith.muli %arg1, %mul3A : i32
    %add3A = arith.addi %mul3A_0, %arg0 : i32
    %mul3A_1 = arith.constant 128 : i32
    %mul3A_2 = arith.muli %add3A, %mul3A_1 : i32
    "tpu.region"() ({
      %run_scoped3A = tpu.sem_alloc : memref<!tpu.dma_semaphore, #tpu.memory_space<semaphore_mem>>
      %dma_start3A_122 = tpu.memref_slice %arg2[%mul3A_2] : memref<4096xi32, #tpu.memory_space<hbm>> -> memref<128xi32, #tpu.memory_space<hbm>>
      %dma_start3A_123 = tpu.memref_slice %arg2[%mul3A_2] : memref<4096xi32, #tpu.memory_space<hbm>> -> memref<128xi32, #tpu.memory_space<hbm>>
      tpu.enqueue_dma source(%dma_start3A_123 : memref<128xi32, #tpu.memory_space<hbm>>) target(%arg7 : memref<128xi32, #tpu.memory_space<vmem>>) target_semaphore(%run_scoped3A : memref<!tpu.dma_semaphore, #tpu.memory_space<semaphore_mem>>)
      %dma_wait3A_124 = tpu.memref_slice %arg2[%mul3A_2] : memref<4096xi32, #tpu.memory_space<hbm>> -> memref<128xi32, #tpu.memory_space<hbm>>
      %dma_wait3A_125 = tpu.memref_slice %arg2[%mul3A_2] : memref<4096xi32, #tpu.memory_space<hbm>> -> memref<128xi32, #tpu.memory_space<hbm>>
      tpu.wait_dma2 semaphore(%run_scoped3A : memref<!tpu.dma_semaphore, #tpu.memory_space<semaphore_mem>>) src(%dma_wait3A_125 : memref<128xi32, #tpu.memory_space<hbm>>) dst(%arg7 : memref<128xi32, #tpu.memory_space<vmem>>)
      tpu.yield
    }) : () -> ()
    "tpu.region"() ({
      %run_scoped3A = tpu.sem_alloc : memref<!tpu.dma_semaphore, #tpu.memory_space<semaphore_mem>>
      %dma_start3A_122 = tpu.memref_slice %arg3[%mul3A_2] : memref<4096xi32, #tpu.memory_space<hbm>> -> memref<128xi32, #tpu.memory_space<hbm>>
      %dma_start3A_123 = tpu.memref_slice %arg3[%mul3A_2] : memref<4096xi32, #tpu.memory_space<hbm>> -> memref<128xi32, #tpu.memory_space<hbm>>
      tpu.enqueue_dma source(%dma_start3A_123 : memref<128xi32, #tpu.memory_space<hbm>>) target(%arg8 : memref<128xi32, #tpu.memory_space<vmem>>) target_semaphore(%run_scoped3A : memref<!tpu.dma_semaphore, #tpu.memory_space<semaphore_mem>>)
      %dma_wait3A_124 = tpu.memref_slice %arg3[%mul3A_2] : memref<4096xi32, #tpu.memory_space<hbm>> -> memref<128xi32, #tpu.memory_space<hbm>>
      %dma_wait3A_125 = tpu.memref_slice %arg3[%mul3A_2] : memref<4096xi32, #tpu.memory_space<hbm>> -> memref<128xi32, #tpu.memory_space<hbm>>
      tpu.wait_dma2 semaphore(%run_scoped3A : memref<!tpu.dma_semaphore, #tpu.memory_space<semaphore_mem>>) src(%dma_wait3A_125 : memref<128xi32, #tpu.memory_space<hbm>>) dst(%arg8 : memref<128xi32, #tpu.memory_space<vmem>>)
      tpu.yield
    }) : () -> ()
    %get3A = arith.constant 0 : index
    %get3A_3 = tpu.vector_load %arg7[%get3A] {strides = array<i32>} : memref<128xi32, #tpu.memory_space<vmem>>, vector<16xi32>,
    %get3A_4 = vector.shape_cast %get3A_3 : vector<16xi32> to vector<16xi32>
    %mul3A_5 = arith.constant 100 : i32
    %mul3A_6 = vector.broadcast %mul3A_5 : i32 to vector<16xi32>
    %mul3A_7 = arith.muli %get3A_4, %mul3A_6 : vector<16xi32>
    %get3A_8 = arith.constant 0 : index
    %get3A_9 = tpu.vector_load %arg8[%get3A_8] {strides = array<i32>} : memref<128xi32, #tpu.memory_space<vmem>>, vector<16xi32>,
    %get3A_10 = vector.shape_cast %get3A_9 : vector<16xi32> to vector<16xi32>
    %add3A_11 = arith.addi %mul3A_7, %get3A_10 : vector<16xi32>
    %swap3A = arith.constant 0 : index
    %swap3A_12 = tpu.vector_load %arg9[%swap3A] {strides = array<i32>} : memref<128xi32, #tpu.memory_space<vmem>>, vector<16xi32>,
    %swap3A_13 = vector.shape_cast %swap3A_12 : vector<16xi32> to vector<16xi32>
    %swap3A_14 = vector.shape_cast %add3A_11 : vector<16xi32> to vector<16xi32>
    tpu.vector_store %arg9[%swap3A], %swap3A_14 {strides = array<i32>} : memref<128xi32, #tpu.memory_space<vmem>>, vector<16xi32>,
    %get3A_15 = arith.constant 16 : index
    %get3A_16 = tpu.vector_load %arg7[%get3A_15] {strides = array<i32>} : memref<128xi32, #tpu.memory_space<vmem>>, vector<16xi32>,
    %get3A_17 = vector.shape_cast %get3A_16 : vector<16xi32> to vector<16xi32>
    %mul3A_18 = arith.constant 100 : i32
    %mul3A_19 = vector.broadcast %mul3A_18 : i32 to vector<16xi32>
    %mul3A_20 = arith.muli %get3A_17, %mul3A_19 : vector<16xi32>
    %get3A_21 = arith.constant 16 : index
    %get3A_22 = tpu.vector_load %arg8[%get3A_21] {strides = array<i32>} : memref<128xi32, #tpu.memory_space<vmem>>, vector<16xi32>,
    %get3A_23 = vector.shape_cast %get3A_22 : vector<16xi32> to vector<16xi32>
    %add3A_24 = arith.addi %mul3A_20, %get3A_23 : vector<16xi32>
    %swap3A_25 = arith.constant 16 : index
    %swap3A_26 = tpu.vector_load %arg9[%swap3A_25] {strides = array<i32>} : memref<128xi32, #tpu.memory_space<vmem>>, vector<16xi32>,
    %swap3A_27 = vector.shape_cast %swap3A_26 : vector<16xi32> to vector<16xi32>
    %swap3A_28 = vector.shape_cast %add3A_24 : vector<16xi32> to vector<16xi32>
    tpu.vector_store %arg9[%swap3A_25], %swap3A_28 {strides = array<i32>} : memref<128xi32, #tpu.memory_space<vmem>>, vector<16xi32>,
    %get3A_29 = arith.constant 32 : index
    %get3A_30 = tpu.vector_load %arg7[%get3A_29] {strides = array<i32>} : memref<128xi32, #tpu.memory_space<vmem>>, vector<16xi32>,
    %get3A_31 = vector.shape_cast %get3A_30 : vector<16xi32> to vector<16xi32>
    %mul3A_32 = arith.constant 100 : i32
    %mul3A_33 = vector.broadcast %mul3A_32 : i32 to vector<16xi32>
    %mul3A_34 = arith.muli %get3A_31, %mul3A_33 : vector<16xi32>
    %get3A_35 = arith.constant 32 : index
    %get3A_36 = tpu.vector_load %arg8[%get3A_35] {strides = array<i32>} : memref<128xi32, #tpu.memory_space<vmem>>, vector<16xi32>,
    %get3A_37 = vector.shape_cast %get3A_36 : vector<16xi32> to vector<16xi32>
    %add3A_38 = arith.addi %mul3A_34, %get3A_37 : vector<16xi32>
    %swap3A_39 = arith.constant 32 : index
    %swap3A_40 = tpu.vector_load %arg9[%swap3A_39] {strides = array<i32>} : memref<128xi32, #tpu.memory_space<vmem>>, vector<16xi32>,
    %swap3A_41 = vector.shape_cast %swap3A_40 : vector<16xi32> to vector<16xi32>
    %swap3A_42 = vector.shape_cast %add3A_38 : vector<16xi32> to vector<16xi32>
    tpu.vector_store %arg9[%swap3A_39], %swap3A_42 {strides = array<i32>} : memref<128xi32, #tpu.memory_space<vmem>>, vector<16xi32>,
    %get3A_43 = arith.constant 48 : index
    %get3A_44 = tpu.vector_load %arg7[%get3A_43] {strides = array<i32>} : memref<128xi32, #tpu.memory_space<vmem>>, vector<16xi32>,
    %get3A_45 = vector.shape_cast %get3A_44 : vector<16xi32> to vector<16xi32>
    %mul3A_46 = arith.constant 100 : i32
    %mul3A_47 = vector.broadcast %mul3A_46 : i32 to vector<16xi32>
    %mul3A_48 = arith.muli %get3A_45, %mul3A_47 : vector<16xi32>
    %get3A_49 = arith.constant 48 : index
    %get3A_50 = tpu.vector_load %arg8[%get3A_49] {strides = array<i32>} : memref<128xi32, #tpu.memory_space<vmem>>, vector<16xi32>,
    %get3A_51 = vector.shape_cast %get3A_50 : vector<16xi32> to vector<16xi32>
    %add3A_52 = arith.addi %mul3A_48, %get3A_51 : vector<16xi32>
    %swap3A_53 = arith.constant 48 : index
    %swap3A_54 = tpu.vector_load %arg9[%swap3A_53] {strides = array<i32>} : memref<128xi32, #tpu.memory_space<vmem>>, vector<16xi32>,
    %swap3A_55 = vector.shape_cast %swap3A_54 : vector<16xi32> to vector<16xi32>
    %swap3A_56 = vector.shape_cast %add3A_52 : vector<16xi32> to vector<16xi32>
    tpu.vector_store %arg9[%swap3A_53], %swap3A_56 {strides = array<i32>} : memref<128xi32, #tpu.memory_space<vmem>>, vector<16xi32>,
    %get3A_57 = arith.constant 64 : index
    %get3A_58 = tpu.vector_load %arg7[%get3A_57] {strides = array<i32>} : memref<128xi32, #tpu.memory_space<vmem>>, vector<16xi32>,
    %get3A_59 = vector.shape_cast %get3A_58 : vector<16xi32> to vector<16xi32>
    %mul3A_60 = arith.constant 100 : i32
    %mul3A_61 = vector.broadcast %mul3A_60 : i32 to vector<16xi32>
    %mul3A_62 = arith.muli %get3A_59, %mul3A_61 : vector<16xi32>
    %get3A_63 = arith.constant 64 : index
    %get3A_64 = tpu.vector_load %arg8[%get3A_63] {strides = array<i32>} : memref<128xi32, #tpu.memory_space<vmem>>, vector<16xi32>,
    %get3A_65 = vector.shape_cast %get3A_64 : vector<16xi32> to vector<16xi32>
    %add3A_66 = arith.addi %mul3A_62, %get3A_65 : vector<16xi32>
    %swap3A_67 = arith.constant 64 : index
    %swap3A_68 = tpu.vector_load %arg9[%swap3A_67] {strides = array<i32>} : memref<128xi32, #tpu.memory_space<vmem>>, vector<16xi32>,
    %swap3A_69 = vector.shape_cast %swap3A_68 : vector<16xi32> to vector<16xi32>
    %swap3A_70 = vector.shape_cast %add3A_66 : vector<16xi32> to vector<16xi32>
    tpu.vector_store %arg9[%swap3A_67], %swap3A_70 {strides = array<i32>} : memref<128xi32, #tpu.memory_space<vmem>>, vector<16xi32>,
    %get3A_71 = arith.constant 80 : index
    %get3A_72 = tpu.vector_load %arg7[%get3A_71] {strides = array<i32>} : memref<128xi32, #tpu.memory_space<vmem>>, vector<16xi32>,
    %get3A_73 = vector.shape_cast %get3A_72 : vector<16xi32> to vector<16xi32>
    %mul3A_74 = arith.constant 100 : i32
    %mul3A_75 = vector.broadcast %mul3A_74 : i32 to vector<16xi32>
    %mul3A_76 = arith.muli %get3A_73, %mul3A_75 : vector<16xi32>
    %get3A_77 = arith.constant 80 : index
    %get3A_78 = tpu.vector_load %arg8[%get3A_77] {strides = array<i32>} : memref<128xi32, #tpu.memory_space<vmem>>, vector<16xi32>,
    %get3A_79 = vector.shape_cast %get3A_78 : vector<16xi32> to vector<16xi32>
    %add3A_80 = arith.addi %mul3A_76, %get3A_79 : vector<16xi32>
    %swap3A_81 = arith.constant 80 : index
    %swap3A_82 = tpu.vector_load %arg9[%swap3A_81] {strides = array<i32>} : memref<128xi32, #tpu.memory_space<vmem>>, vector<16xi32>,
    %swap3A_83 = vector.shape_cast %swap3A_82 : vector<16xi32> to vector<16xi32>
    %swap3A_84 = vector.shape_cast %add3A_80 : vector<16xi32> to vector<16xi32>
    tpu.vector_store %arg9[%swap3A_81], %swap3A_84 {strides = array<i32>} : memref<128xi32, #tpu.memory_space<vmem>>, vector<16xi32>,
    %get3A_85 = arith.constant 96 : index
    %get3A_86 = tpu.vector_load %arg7[%get3A_85] {strides = array<i32>} : memref<128xi32, #tpu.memory_space<vmem>>, vector<16xi32>,
    %get3A_87 = vector.shape_cast %get3A_86 : vector<16xi32> to vector<16xi32>
    %mul3A_88 = arith.constant 100 : i32
    %mul3A_89 = vector.broadcast %mul3A_88 : i32 to vector<16xi32>
    %mul3A_90 = arith.muli %get3A_87, %mul3A_89 : vector<16xi32>
    %get3A_91 = arith.constant 96 : index
    %get3A_92 = tpu.vector_load %arg8[%get3A_91] {strides = array<i32>} : memref<128xi32, #tpu.memory_space<vmem>>, vector<16xi32>,
    %get3A_93 = vector.shape_cast %get3A_92 : vector<16xi32> to vector<16xi32>
    %add3A_94 = arith.addi %mul3A_90, %get3A_93 : vector<16xi32>
    %swap3A_95 = arith.constant 96 : index
    %swap3A_96 = tpu.vector_load %arg9[%swap3A_95] {strides = array<i32>} : memref<128xi32, #tpu.memory_space<vmem>>, vector<16xi32>,
    %swap3A_97 = vector.shape_cast %swap3A_96 : vector<16xi32> to vector<16xi32>
    %swap3A_98 = vector.shape_cast %add3A_94 : vector<16xi32> to vector<16xi32>
    tpu.vector_store %arg9[%swap3A_95], %swap3A_98 {strides = array<i32>} : memref<128xi32, #tpu.memory_space<vmem>>, vector<16xi32>,
    %get3A_99 = arith.constant 112 : index
    %get3A_100 = tpu.vector_load %arg7[%get3A_99] {strides = array<i32>} : memref<128xi32, #tpu.memory_space<vmem>>, vector<16xi32>,
    %get3A_101 = vector.shape_cast %get3A_100 : vector<16xi32> to vector<16xi32>
    %mul3A_102 = arith.constant 100 : i32
    %mul3A_103 = vector.broadcast %mul3A_102 : i32 to vector<16xi32>
    %mul3A_104 = arith.muli %get3A_101, %mul3A_103 : vector<16xi32>
    %get3A_105 = arith.constant 112 : index
    %get3A_106 = tpu.vector_load %arg8[%get3A_105] {strides = array<i32>} : memref<128xi32, #tpu.memory_space<vmem>>, vector<16xi32>,
    %get3A_107 = vector.shape_cast %get3A_106 : vector<16xi32> to vector<16xi32>
    %add3A_108 = arith.addi %mul3A_104, %get3A_107 : vector<16xi32>
    %swap3A_109 = arith.constant 112 : index
    %swap3A_110 = tpu.vector_load %arg9[%swap3A_109] {strides = array<i32>} : memref<128xi32, #tpu.memory_space<vmem>>, vector<16xi32>,
    %swap3A_111 = vector.shape_cast %swap3A_110 : vector<16xi32> to vector<16xi32>
    %swap3A_112 = vector.shape_cast %add3A_108 : vector<16xi32> to vector<16xi32>
    tpu.vector_store %arg9[%swap3A_109], %swap3A_112 {strides = array<i32>} : memref<128xi32, #tpu.memory_space<vmem>>, vector<16xi32>,
    %dma_start3A = arith.constant 0 : i32
    %dma_start3A_113 = arith.constant 0 : i32
    %dma_start3A_114 = tpu.memref_slice %arg4[%dma_start3A, %dma_start3A_113] : memref<10000x104xi32, #tpu.memory_space<hbm>> -> memref<10000x104xi32, #tpu.memory_space<hbm>>
    tpu.enqueue_indirect_dma source(%dma_start3A_114 : memref<10000x104xi32, #tpu.memory_space<hbm>>) target(%arg10 : memref<128x104xi32, #tpu.memory_space<vmem>>) offsets(%arg9 : memref<128xi32, #tpu.memory_space<vmem>>) semaphore(%arg12 : memref<!tpu.dma_semaphore, #tpu.memory_space<semaphore_mem>>)
    %dma_wait3A = arith.constant 0 : i32
    %dma_wait3A_115 = arith.constant 0 : i32
    %dma_wait3A_116 = tpu.memref_slice %arg4[%dma_wait3A, %dma_wait3A_115] : memref<10000x104xi32, #tpu.memory_space<hbm>> -> memref<10000x104xi32, #tpu.memory_space<hbm>>
    tpu.wait_indirect_dma semaphore(%arg12 : memref<!tpu.dma_semaphore, #tpu.memory_space<semaphore_mem>>) src(%dma_wait3A_116 : memref<10000x104xi32, #tpu.memory_space<hbm>>) dst(%arg10 : memref<128x104xi32, #tpu.memory_space<vmem>>)
    %scan3A = arith.constant 0 : i32
    %scan3A_117 = arith.constant 0 : i32
    %scan3A_118 = arith.constant 16 : i32
    %scan3A_119 = arith.addi %scan3A_117, %scan3A_118 : i32
    %scan3A_120 = arith.constant 1 : i32
    scf.for %scan3A_122 = %scan3A_117 to %scan3A_119 step %scan3A_120  : i32 {
      %mul3A_123 = arith.constant 8 : i32
      %mul3A_124 = arith.muli %scan3A_122, %mul3A_123 : i32
      %add3A_125 = arith.constant 0 : i32
      %add3A_126 = arith.addi %mul3A_124, %add3A_125 : i32
      %add3A_127 = arith.constant 0 : i32
      %add3A_128 = arith.addi %mul3A_124, %add3A_127 : i32
      %dma_start3A_129 = arith.constant 0 : i32
      %dma_start3A_130 = arith.constant 0 : i32
      %dma_start3A_131 = tpu.memref_slice %arg11[%add3A_128, %dma_start3A_129, %dma_start3A_130] : memref<128x104x8xi32, #tpu.memory_space<vmem>> -> memref<1x104x8xi32, #tpu.memory_space<vmem>>
      %dma_start3A_132 = tpu.memref_squeeze %dma_start3A_131 : memref<1x104x8xi32, #tpu.memory_space<vmem>> -> memref<104x8xi32, #tpu.memory_space<vmem>>
      %dma_start3A_133 = arith.constant 0 : i32
      %dma_start3A_134 = tpu.memref_slice %arg10[%add3A_126, %dma_start3A_133] : memref<128x104xi32, #tpu.memory_space<vmem>> -> memref<1x104xi32, #tpu.memory_space<vmem>>
      %dma_start3A_135 = tpu.memref_squeeze %dma_start3A_134 : memref<1x104xi32, #tpu.memory_space<vmem>> -> memref<104xi32, #tpu.memory_space<vmem>>
      %dma_start3A_136 = arith.constant 0 : i32
      %dma_start3A_137 = arith.constant 0 : i32
      %dma_start3A_138 = tpu.memref_slice %arg5[%dma_start3A_136, %dma_start3A_137] : memref<1000000x8xi32, #tpu.memory_space<hbm>> -> memref<1000000x8xi32, #tpu.memory_space<hbm>>
      tpu.enqueue_indirect_dma source(%dma_start3A_138 : memref<1000000x8xi32, #tpu.memory_space<hbm>>) target(%dma_start3A_132 : memref<104x8xi32, #tpu.memory_space<vmem>>) offsets(%dma_start3A_135 : memref<104xi32, #tpu.memory_space<vmem>>) semaphore(%arg13 : memref<!tpu.dma_semaphore, #tpu.memory_space<semaphore_mem>>)
      %add3A_139 = arith.constant 1 : i32
      %add3A_140 = arith.addi %mul3A_124, %add3A_139 : i32
      %add3A_141 = arith.constant 1 : i32
      %add3A_142 = arith.addi %mul3A_124, %add3A_141 : i32
      %dma_start3A_143 = arith.constant 0 : i32
      %dma_start3A_144 = arith.constant 0 : i32
      %dma_start3A_145 = tpu.memref_slice %arg11[%add3A_142, %dma_start3A_143, %dma_start3A_144] : memref<128x104x8xi32, #tpu.memory_space<vmem>> -> memref<1x104x8xi32, #tpu.memory_space<vmem>>
      %dma_start3A_146 = tpu.memref_squeeze %dma_start3A_145 : memref<1x104x8xi32, #tpu.memory_space<vmem>> -> memref<104x8xi32, #tpu.memory_space<vmem>>
      %dma_start3A_147 = arith.constant 0 : i32
      %dma_start3A_148 = tpu.memref_slice %arg10[%add3A_140, %dma_start3A_147] : memref<128x104xi32, #tpu.memory_space<vmem>> -> memref<1x104xi32, #tpu.memory_space<vmem>>
      %dma_start3A_149 = tpu.memref_squeeze %dma_start3A_148 : memref<1x104xi32, #tpu.memory_space<vmem>> -> memref<104xi32, #tpu.memory_space<vmem>>
      %dma_start3A_150 = arith.constant 0 : i32
      %dma_start3A_151 = arith.constant 0 : i32
      %dma_start3A_152 = tpu.memref_slice %arg5[%dma_start3A_150, %dma_start3A_151] : memref<1000000x8xi32, #tpu.memory_space<hbm>> -> memref<1000000x8xi32, #tpu.memory_space<hbm>>
      tpu.enqueue_indirect_dma source(%dma_start3A_152 : memref<1000000x8xi32, #tpu.memory_space<hbm>>) target(%dma_start3A_146 : memref<104x8xi32, #tpu.memory_space<vmem>>) offsets(%dma_start3A_149 : memref<104xi32, #tpu.memory_space<vmem>>) semaphore(%arg13 : memref<!tpu.dma_semaphore, #tpu.memory_space<semaphore_mem>>)
      %add3A_153 = arith.constant 2 : i32
      %add3A_154 = arith.addi %mul3A_124, %add3A_153 : i32
      %add3A_155 = arith.constant 2 : i32
      %add3A_156 = arith.addi %mul3A_124, %add3A_155 : i32
      %dma_start3A_157 = arith.constant 0 : i32
      %dma_start3A_158 = arith.constant 0 : i32
      %dma_start3A_159 = tpu.memref_slice %arg11[%add3A_156, %dma_start3A_157, %dma_start3A_158] : memref<128x104x8xi32, #tpu.memory_space<vmem>> -> memref<1x104x8xi32, #tpu.memory_space<vmem>>
      %dma_start3A_160 = tpu.memref_squeeze %dma_start3A_159 : memref<1x104x8xi32, #tpu.memory_space<vmem>> -> memref<104x8xi32, #tpu.memory_space<vmem>>
      %dma_start3A_161 = arith.constant 0 : i32
      %dma_start3A_162 = tpu.memref_slice %arg10[%add3A_154, %dma_start3A_161] : memref<128x104xi32, #tpu.memory_space<vmem>> -> memref<1x104xi32, #tpu.memory_space<vmem>>
      %dma_start3A_163 = tpu.memref_squeeze %dma_start3A_162 : memref<1x104xi32, #tpu.memory_space<vmem>> -> memref<104xi32, #tpu.memory_space<vmem>>
      %dma_start3A_164 = arith.constant 0 : i32
      %dma_start3A_165 = arith.constant 0 : i32
      %dma_start3A_166 = tpu.memref_slice %arg5[%dma_start3A_164, %dma_start3A_165] : memref<1000000x8xi32, #tpu.memory_space<hbm>> -> memref<1000000x8xi32, #tpu.memory_space<hbm>>
      tpu.enqueue_indirect_dma source(%dma_start3A_166 : memref<1000000x8xi32, #tpu.memory_space<hbm>>) target(%dma_start3A_160 : memref<104x8xi32, #tpu.memory_space<vmem>>) offsets(%dma_start3A_163 : memref<104xi32, #tpu.memory_space<vmem>>) semaphore(%arg13 : memref<!tpu.dma_semaphore, #tpu.memory_space<semaphore_mem>>)
      %add3A_167 = arith.constant 3 : i32
      %add3A_168 = arith.addi %mul3A_124, %add3A_167 : i32
      %add3A_169 = arith.constant 3 : i32
      %add3A_170 = arith.addi %mul3A_124, %add3A_169 : i32
      %dma_start3A_171 = arith.constant 0 : i32
      %dma_start3A_172 = arith.constant 0 : i32
      %dma_start3A_173 = tpu.memref_slice %arg11[%add3A_170, %dma_start3A_171, %dma_start3A_172] : memref<128x104x8xi32, #tpu.memory_space<vmem>> -> memref<1x104x8xi32, #tpu.memory_space<vmem>>
      %dma_start3A_174 = tpu.memref_squeeze %dma_start3A_173 : memref<1x104x8xi32, #tpu.memory_space<vmem>> -> memref<104x8xi32, #tpu.memory_space<vmem>>
      %dma_start3A_175 = arith.constant 0 : i32
      %dma_start3A_176 = tpu.memref_slice %arg10[%add3A_168, %dma_start3A_175] : memref<128x104xi32, #tpu.memory_space<vmem>> -> memref<1x104xi32, #tpu.memory_space<vmem>>
      %dma_start3A_177 = tpu.memref_squeeze %dma_start3A_176 : memref<1x104xi32, #tpu.memory_space<vmem>> -> memref<104xi32, #tpu.memory_space<vmem>>
      %dma_start3A_178 = arith.constant 0 : i32
      %dma_start3A_179 = arith.constant 0 : i32
      %dma_start3A_180 = tpu.memref_slice %arg5[%dma_start3A_178, %dma_start3A_179] : memref<1000000x8xi32, #tpu.memory_space<hbm>> -> memref<1000000x8xi32, #tpu.memory_space<hbm>>
      tpu.enqueue_indirect_dma source(%dma_start3A_180 : memref<1000000x8xi32, #tpu.memory_space<hbm>>) target(%dma_start3A_174 : memref<104x8xi32, #tpu.memory_space<vmem>>) offsets(%dma_start3A_177 : memref<104xi32, #tpu.memory_space<vmem>>) semaphore(%arg13 : memref<!tpu.dma_semaphore, #tpu.memory_space<semaphore_mem>>)
      %add3A_181 = arith.constant 4 : i32
      %add3A_182 = arith.addi %mul3A_124, %add3A_181 : i32
      %add3A_183 = arith.constant 4 : i32
      %add3A_184 = arith.addi %mul3A_124, %add3A_183 : i32
      %dma_start3A_185 = arith.constant 0 : i32
      %dma_start3A_186 = arith.constant 0 : i32
      %dma_start3A_187 = tpu.memref_slice %arg11[%add3A_184, %dma_start3A_185, %dma_start3A_186] : memref<128x104x8xi32, #tpu.memory_space<vmem>> -> memref<1x104x8xi32, #tpu.memory_space<vmem>>
      %dma_start3A_188 = tpu.memref_squeeze %dma_start3A_187 : memref<1x104x8xi32, #tpu.memory_space<vmem>> -> memref<104x8xi32, #tpu.memory_space<vmem>>
      %dma_start3A_189 = arith.constant 0 : i32
      %dma_start3A_190 = tpu.memref_slice %arg10[%add3A_182, %dma_start3A_189] : memref<128x104xi32, #tpu.memory_space<vmem>> -> memref<1x104xi32, #tpu.memory_space<vmem>>
      %dma_start3A_191 = tpu.memref_squeeze %dma_start3A_190 : memref<1x104xi32, #tpu.memory_space<vmem>> -> memref<104xi32, #tpu.memory_space<vmem>>
      %dma_start3A_192 = arith.constant 0 : i32
      %dma_start3A_193 = arith.constant 0 : i32
      %dma_start3A_194 = tpu.memref_slice %arg5[%dma_start3A_192, %dma_start3A_193] : memref<1000000x8xi32, #tpu.memory_space<hbm>> -> memref<1000000x8xi32, #tpu.memory_space<hbm>>
      tpu.enqueue_indirect_dma source(%dma_start3A_194 : memref<1000000x8xi32, #tpu.memory_space<hbm>>) target(%dma_start3A_188 : memref<104x8xi32, #tpu.memory_space<vmem>>) offsets(%dma_start3A_191 : memref<104xi32, #tpu.memory_space<vmem>>) semaphore(%arg13 : memref<!tpu.dma_semaphore, #tpu.memory_space<semaphore_mem>>)
      %add3A_195 = arith.constant 5 : i32
      %add3A_196 = arith.addi %mul3A_124, %add3A_195 : i32
      %add3A_197 = arith.constant 5 : i32
      %add3A_198 = arith.addi %mul3A_124, %add3A_197 : i32
      %dma_start3A_199 = arith.constant 0 : i32
      %dma_start3A_200 = arith.constant 0 : i32
      %dma_start3A_201 = tpu.memref_slice %arg11[%add3A_198, %dma_start3A_199, %dma_start3A_200] : memref<128x104x8xi32, #tpu.memory_space<vmem>> -> memref<1x104x8xi32, #tpu.memory_space<vmem>>
      %dma_start3A_202 = tpu.memref_squeeze %dma_start3A_201 : memref<1x104x8xi32, #tpu.memory_space<vmem>> -> memref<104x8xi32, #tpu.memory_space<vmem>>
      %dma_start3A_203 = arith.constant 0 : i32
      %dma_start3A_204 = tpu.memref_slice %arg10[%add3A_196, %dma_start3A_203] : memref<128x104xi32, #tpu.memory_space<vmem>> -> memref<1x104xi32, #tpu.memory_space<vmem>>
      %dma_start3A_205 = tpu.memref_squeeze %dma_start3A_204 : memref<1x104xi32, #tpu.memory_space<vmem>> -> memref<104xi32, #tpu.memory_space<vmem>>
      %dma_start3A_206 = arith.constant 0 : i32
      %dma_start3A_207 = arith.constant 0 : i32
      %dma_start3A_208 = tpu.memref_slice %arg5[%dma_start3A_206, %dma_start3A_207] : memref<1000000x8xi32, #tpu.memory_space<hbm>> -> memref<1000000x8xi32, #tpu.memory_space<hbm>>
      tpu.enqueue_indirect_dma source(%dma_start3A_208 : memref<1000000x8xi32, #tpu.memory_space<hbm>>) target(%dma_start3A_202 : memref<104x8xi32, #tpu.memory_space<vmem>>) offsets(%dma_start3A_205 : memref<104xi32, #tpu.memory_space<vmem>>) semaphore(%arg13 : memref<!tpu.dma_semaphore, #tpu.memory_space<semaphore_mem>>)
      %add3A_209 = arith.constant 6 : i32
      %add3A_210 = arith.addi %mul3A_124, %add3A_209 : i32
      %add3A_211 = arith.constant 6 : i32
      %add3A_212 = arith.addi %mul3A_124, %add3A_211 : i32
      %dma_start3A_213 = arith.constant 0 : i32
      %dma_start3A_214 = arith.constant 0 : i32
      %dma_start3A_215 = tpu.memref_slice %arg11[%add3A_212, %dma_start3A_213, %dma_start3A_214] : memref<128x104x8xi32, #tpu.memory_space<vmem>> -> memref<1x104x8xi32, #tpu.memory_space<vmem>>
      %dma_start3A_216 = tpu.memref_squeeze %dma_start3A_215 : memref<1x104x8xi32, #tpu.memory_space<vmem>> -> memref<104x8xi32, #tpu.memory_space<vmem>>
      %dma_start3A_217 = arith.constant 0 : i32
      %dma_start3A_218 = tpu.memref_slice %arg10[%add3A_210, %dma_start3A_217] : memref<128x104xi32, #tpu.memory_space<vmem>> -> memref<1x104xi32, #tpu.memory_space<vmem>>
      %dma_start3A_219 = tpu.memref_squeeze %dma_start3A_218 : memref<1x104xi32, #tpu.memory_space<vmem>> -> memref<104xi32, #tpu.memory_space<vmem>>
      %dma_start3A_220 = arith.constant 0 : i32
      %dma_start3A_221 = arith.constant 0 : i32
      %dma_start3A_222 = tpu.memref_slice %arg5[%dma_start3A_220, %dma_start3A_221] : memref<1000000x8xi32, #tpu.memory_space<hbm>> -> memref<1000000x8xi32, #tpu.memory_space<hbm>>
      tpu.enqueue_indirect_dma source(%dma_start3A_222 : memref<1000000x8xi32, #tpu.memory_space<hbm>>) target(%dma_start3A_216 : memref<104x8xi32, #tpu.memory_space<vmem>>) offsets(%dma_start3A_219 : memref<104xi32, #tpu.memory_space<vmem>>) semaphore(%arg13 : memref<!tpu.dma_semaphore, #tpu.memory_space<semaphore_mem>>)
      %add3A_223 = arith.constant 7 : i32
      %add3A_224 = arith.addi %mul3A_124, %add3A_223 : i32
      %add3A_225 = arith.constant 7 : i32
      %add3A_226 = arith.addi %mul3A_124, %add3A_225 : i32
      %dma_start3A_227 = arith.constant 0 : i32
      %dma_start3A_228 = arith.constant 0 : i32
      %dma_start3A_229 = tpu.memref_slice %arg11[%add3A_226, %dma_start3A_227, %dma_start3A_228] : memref<128x104x8xi32, #tpu.memory_space<vmem>> -> memref<1x104x8xi32, #tpu.memory_space<vmem>>
      %dma_start3A_230 = tpu.memref_squeeze %dma_start3A_229 : memref<1x104x8xi32, #tpu.memory_space<vmem>> -> memref<104x8xi32, #tpu.memory_space<vmem>>
      %dma_start3A_231 = arith.constant 0 : i32
      %dma_start3A_232 = tpu.memref_slice %arg10[%add3A_224, %dma_start3A_231] : memref<128x104xi32, #tpu.memory_space<vmem>> -> memref<1x104xi32, #tpu.memory_space<vmem>>
      %dma_start3A_233 = tpu.memref_squeeze %dma_start3A_232 : memref<1x104xi32, #tpu.memory_space<vmem>> -> memref<104xi32, #tpu.memory_space<vmem>>
      %dma_start3A_234 = arith.constant 0 : i32
      %dma_start3A_235 = arith.constant 0 : i32
      %dma_start3A_236 = tpu.memref_slice %arg5[%dma_start3A_234, %dma_start3A_235] : memref<1000000x8xi32, #tpu.memory_space<hbm>> -> memref<1000000x8xi32, #tpu.memory_space<hbm>>
      tpu.enqueue_indirect_dma source(%dma_start3A_236 : memref<1000000x8xi32, #tpu.memory_space<hbm>>) target(%dma_start3A_230 : memref<104x8xi32, #tpu.memory_space<vmem>>) offsets(%dma_start3A_233 : memref<104xi32, #tpu.memory_space<vmem>>) semaphore(%arg13 : memref<!tpu.dma_semaphore, #tpu.memory_space<semaphore_mem>>)
      %dma_wait3A_237 = arith.constant 0 : i32
      %dma_wait3A_238 = arith.constant 0 : i32
      %dma_wait3A_239 = tpu.memref_slice %arg11[%add3A_128, %dma_wait3A_237, %dma_wait3A_238] : memref<128x104x8xi32, #tpu.memory_space<vmem>> -> memref<1x104x8xi32, #tpu.memory_space<vmem>>
      %dma_wait3A_240 = tpu.memref_squeeze %dma_wait3A_239 : memref<1x104x8xi32, #tpu.memory_space<vmem>> -> memref<104x8xi32, #tpu.memory_space<vmem>>
      %dma_wait3A_241 = arith.constant 0 : i32
      %dma_wait3A_242 = tpu.memref_slice %arg10[%add3A_126, %dma_wait3A_241] : memref<128x104xi32, #tpu.memory_space<vmem>> -> memref<1x104xi32, #tpu.memory_space<vmem>>
      %dma_wait3A_243 = tpu.memref_squeeze %dma_wait3A_242 : memref<1x104xi32, #tpu.memory_space<vmem>> -> memref<104xi32, #tpu.memory_space<vmem>>
      %dma_wait3A_244 = arith.constant 0 : i32
      %dma_wait3A_245 = arith.constant 0 : i32
      %dma_wait3A_246 = tpu.memref_slice %arg5[%dma_wait3A_244, %dma_wait3A_245] : memref<1000000x8xi32, #tpu.memory_space<hbm>> -> memref<1000000x8xi32, #tpu.memory_space<hbm>>
      tpu.wait_indirect_dma semaphore(%arg13 : memref<!tpu.dma_semaphore, #tpu.memory_space<semaphore_mem>>) src(%dma_wait3A_246 : memref<1000000x8xi32, #tpu.memory_space<hbm>>) dst(%dma_wait3A_240 : memref<104x8xi32, #tpu.memory_space<vmem>>)
      %dma_wait3A_247 = arith.constant 0 : i32
      %dma_wait3A_248 = arith.constant 0 : i32
      %dma_wait3A_249 = tpu.memref_slice %arg11[%add3A_142, %dma_wait3A_247, %dma_wait3A_248] : memref<128x104x8xi32, #tpu.memory_space<vmem>> -> memref<1x104x8xi32, #tpu.memory_space<vmem>>
      %dma_wait3A_250 = tpu.memref_squeeze %dma_wait3A_249 : memref<1x104x8xi32, #tpu.memory_space<vmem>> -> memref<104x8xi32, #tpu.memory_space<vmem>>
      %dma_wait3A_251 = arith.constant 0 : i32
      %dma_wait3A_252 = tpu.memref_slice %arg10[%add3A_140, %dma_wait3A_251] : memref<128x104xi32, #tpu.memory_space<vmem>> -> memref<1x104xi32, #tpu.memory_space<vmem>>
      %dma_wait3A_253 = tpu.memref_squeeze %dma_wait3A_252 : memref<1x104xi32, #tpu.memory_space<vmem>> -> memref<104xi32, #tpu.memory_space<vmem>>
      %dma_wait3A_254 = arith.constant 0 : i32
      %dma_wait3A_255 = arith.constant 0 : i32
      %dma_wait3A_256 = tpu.memref_slice %arg5[%dma_wait3A_254, %dma_wait3A_255] : memref<1000000x8xi32, #tpu.memory_space<hbm>> -> memref<1000000x8xi32, #tpu.memory_space<hbm>>
      tpu.wait_indirect_dma semaphore(%arg13 : memref<!tpu.dma_semaphore, #tpu.memory_space<semaphore_mem>>) src(%dma_wait3A_256 : memref<1000000x8xi32, #tpu.memory_space<hbm>>) dst(%dma_wait3A_250 : memref<104x8xi32, #tpu.memory_space<vmem>>)
      %dma_wait3A_257 = arith.constant 0 : i32
      %dma_wait3A_258 = arith.constant 0 : i32
      %dma_wait3A_259 = tpu.memref_slice %arg11[%add3A_156, %dma_wait3A_257, %dma_wait3A_258] : memref<128x104x8xi32, #tpu.memory_space<vmem>> -> memref<1x104x8xi32, #tpu.memory_space<vmem>>
      %dma_wait3A_260 = tpu.memref_squeeze %dma_wait3A_259 : memref<1x104x8xi32, #tpu.memory_space<vmem>> -> memref<104x8xi32, #tpu.memory_space<vmem>>
      %dma_wait3A_261 = arith.constant 0 : i32
      %dma_wait3A_262 = tpu.memref_slice %arg10[%add3A_154, %dma_wait3A_261] : memref<128x104xi32, #tpu.memory_space<vmem>> -> memref<1x104xi32, #tpu.memory_space<vmem>>
      %dma_wait3A_263 = tpu.memref_squeeze %dma_wait3A_262 : memref<1x104xi32, #tpu.memory_space<vmem>> -> memref<104xi32, #tpu.memory_space<vmem>>
      %dma_wait3A_264 = arith.constant 0 : i32
      %dma_wait3A_265 = arith.constant 0 : i32
      %dma_wait3A_266 = tpu.memref_slice %arg5[%dma_wait3A_264, %dma_wait3A_265] : memref<1000000x8xi32, #tpu.memory_space<hbm>> -> memref<1000000x8xi32, #tpu.memory_space<hbm>>
      tpu.wait_indirect_dma semaphore(%arg13 : memref<!tpu.dma_semaphore, #tpu.memory_space<semaphore_mem>>) src(%dma_wait3A_266 : memref<1000000x8xi32, #tpu.memory_space<hbm>>) dst(%dma_wait3A_260 : memref<104x8xi32, #tpu.memory_space<vmem>>)
      %dma_wait3A_267 = arith.constant 0 : i32
      %dma_wait3A_268 = arith.constant 0 : i32
      %dma_wait3A_269 = tpu.memref_slice %arg11[%add3A_170, %dma_wait3A_267, %dma_wait3A_268] : memref<128x104x8xi32, #tpu.memory_space<vmem>> -> memref<1x104x8xi32, #tpu.memory_space<vmem>>
      %dma_wait3A_270 = tpu.memref_squeeze %dma_wait3A_269 : memref<1x104x8xi32, #tpu.memory_space<vmem>> -> memref<104x8xi32, #tpu.memory_space<vmem>>
      %dma_wait3A_271 = arith.constant 0 : i32
      %dma_wait3A_272 = tpu.memref_slice %arg10[%add3A_168, %dma_wait3A_271] : memref<128x104xi32, #tpu.memory_space<vmem>> -> memref<1x104xi32, #tpu.memory_space<vmem>>
      %dma_wait3A_273 = tpu.memref_squeeze %dma_wait3A_272 : memref<1x104xi32, #tpu.memory_space<vmem>> -> memref<104xi32, #tpu.memory_space<vmem>>
      %dma_wait3A_274 = arith.constant 0 : i32
      %dma_wait3A_275 = arith.constant 0 : i32
      %dma_wait3A_276 = tpu.memref_slice %arg5[%dma_wait3A_274, %dma_wait3A_275] : memref<1000000x8xi32, #tpu.memory_space<hbm>> -> memref<1000000x8xi32, #tpu.memory_space<hbm>>
      tpu.wait_indirect_dma semaphore(%arg13 : memref<!tpu.dma_semaphore, #tpu.memory_space<semaphore_mem>>) src(%dma_wait3A_276 : memref<1000000x8xi32, #tpu.memory_space<hbm>>) dst(%dma_wait3A_270 : memref<104x8xi32, #tpu.memory_space<vmem>>)
      %dma_wait3A_277 = arith.constant 0 : i32
      %dma_wait3A_278 = arith.constant 0 : i32
      %dma_wait3A_279 = tpu.memref_slice %arg11[%add3A_184, %dma_wait3A_277, %dma_wait3A_278] : memref<128x104x8xi32, #tpu.memory_space<vmem>> -> memref<1x104x8xi32, #tpu.memory_space<vmem>>
      %dma_wait3A_280 = tpu.memref_squeeze %dma_wait3A_279 : memref<1x104x8xi32, #tpu.memory_space<vmem>> -> memref<104x8xi32, #tpu.memory_space<vmem>>
      %dma_wait3A_281 = arith.constant 0 : i32
      %dma_wait3A_282 = tpu.memref_slice %arg10[%add3A_182, %dma_wait3A_281] : memref<128x104xi32, #tpu.memory_space<vmem>> -> memref<1x104xi32, #tpu.memory_space<vmem>>
      %dma_wait3A_283 = tpu.memref_squeeze %dma_wait3A_282 : memref<1x104xi32, #tpu.memory_space<vmem>> -> memref<104xi32, #tpu.memory_space<vmem>>
      %dma_wait3A_284 = arith.constant 0 : i32
      %dma_wait3A_285 = arith.constant 0 : i32
      %dma_wait3A_286 = tpu.memref_slice %arg5[%dma_wait3A_284, %dma_wait3A_285] : memref<1000000x8xi32, #tpu.memory_space<hbm>> -> memref<1000000x8xi32, #tpu.memory_space<hbm>>
      tpu.wait_indirect_dma semaphore(%arg13 : memref<!tpu.dma_semaphore, #tpu.memory_space<semaphore_mem>>) src(%dma_wait3A_286 : memref<1000000x8xi32, #tpu.memory_space<hbm>>) dst(%dma_wait3A_280 : memref<104x8xi32, #tpu.memory_space<vmem>>)
      %dma_wait3A_287 = arith.constant 0 : i32
      %dma_wait3A_288 = arith.constant 0 : i32
      %dma_wait3A_289 = tpu.memref_slice %arg11[%add3A_198, %dma_wait3A_287, %dma_wait3A_288] : memref<128x104x8xi32, #tpu.memory_space<vmem>> -> memref<1x104x8xi32, #tpu.memory_space<vmem>>
      %dma_wait3A_290 = tpu.memref_squeeze %dma_wait3A_289 : memref<1x104x8xi32, #tpu.memory_space<vmem>> -> memref<104x8xi32, #tpu.memory_space<vmem>>
      %dma_wait3A_291 = arith.constant 0 : i32
      %dma_wait3A_292 = tpu.memref_slice %arg10[%add3A_196, %dma_wait3A_291] : memref<128x104xi32, #tpu.memory_space<vmem>> -> memref<1x104xi32, #tpu.memory_space<vmem>>
      %dma_wait3A_293 = tpu.memref_squeeze %dma_wait3A_292 : memref<1x104xi32, #tpu.memory_space<vmem>> -> memref<104xi32, #tpu.memory_space<vmem>>
      %dma_wait3A_294 = arith.constant 0 : i32
      %dma_wait3A_295 = arith.constant 0 : i32
      %dma_wait3A_296 = tpu.memref_slice %arg5[%dma_wait3A_294, %dma_wait3A_295] : memref<1000000x8xi32, #tpu.memory_space<hbm>> -> memref<1000000x8xi32, #tpu.memory_space<hbm>>
      tpu.wait_indirect_dma semaphore(%arg13 : memref<!tpu.dma_semaphore, #tpu.memory_space<semaphore_mem>>) src(%dma_wait3A_296 : memref<1000000x8xi32, #tpu.memory_space<hbm>>) dst(%dma_wait3A_290 : memref<104x8xi32, #tpu.memory_space<vmem>>)
      %dma_wait3A_297 = arith.constant 0 : i32
      %dma_wait3A_298 = arith.constant 0 : i32
      %dma_wait3A_299 = tpu.memref_slice %arg11[%add3A_212, %dma_wait3A_297, %dma_wait3A_298] : memref<128x104x8xi32, #tpu.memory_space<vmem>> -> memref<1x104x8xi32, #tpu.memory_space<vmem>>
      %dma_wait3A_300 = tpu.memref_squeeze %dma_wait3A_299 : memref<1x104x8xi32, #tpu.memory_space<vmem>> -> memref<104x8xi32, #tpu.memory_space<vmem>>
      %dma_wait3A_301 = arith.constant 0 : i32
      %dma_wait3A_302 = tpu.memref_slice %arg10[%add3A_210, %dma_wait3A_301] : memref<128x104xi32, #tpu.memory_space<vmem>> -> memref<1x104xi32, #tpu.memory_space<vmem>>
      %dma_wait3A_303 = tpu.memref_squeeze %dma_wait3A_302 : memref<1x104xi32, #tpu.memory_space<vmem>> -> memref<104xi32, #tpu.memory_space<vmem>>
      %dma_wait3A_304 = arith.constant 0 : i32
      %dma_wait3A_305 = arith.constant 0 : i32
      %dma_wait3A_306 = tpu.memref_slice %arg5[%dma_wait3A_304, %dma_wait3A_305] : memref<1000000x8xi32, #tpu.memory_space<hbm>> -> memref<1000000x8xi32, #tpu.memory_space<hbm>>
      tpu.wait_indirect_dma semaphore(%arg13 : memref<!tpu.dma_semaphore, #tpu.memory_space<semaphore_mem>>) src(%dma_wait3A_306 : memref<1000000x8xi32, #tpu.memory_space<hbm>>) dst(%dma_wait3A_300 : memref<104x8xi32, #tpu.memory_space<vmem>>)
      %dma_wait3A_307 = arith.constant 0 : i32
      %dma_wait3A_308 = arith.constant 0 : i32
      %dma_wait3A_309 = tpu.memref_slice %arg11[%add3A_226, %dma_wait3A_307, %dma_wait3A_308] : memref<128x104x8xi32, #tpu.memory_space<vmem>> -> memref<1x104x8xi32, #tpu.memory_space<vmem>>
      %dma_wait3A_310 = tpu.memref_squeeze %dma_wait3A_309 : memref<1x104x8xi32, #tpu.memory_space<vmem>> -> memref<104x8xi32, #tpu.memory_space<vmem>>
      %dma_wait3A_311 = arith.constant 0 : i32
      %dma_wait3A_312 = tpu.memref_slice %arg10[%add3A_224, %dma_wait3A_311] : memref<128x104xi32, #tpu.memory_space<vmem>> -> memref<1x104xi32, #tpu.memory_space<vmem>>
      %dma_wait3A_313 = tpu.memref_squeeze %dma_wait3A_312 : memref<1x104xi32, #tpu.memory_space<vmem>> -> memref<104xi32, #tpu.memory_space<vmem>>
      %dma_wait3A_314 = arith.constant 0 : i32
      %dma_wait3A_315 = arith.constant 0 : i32
      %dma_wait3A_316 = tpu.memref_slice %arg5[%dma_wait3A_314, %dma_wait3A_315] : memref<1000000x8xi32, #tpu.memory_space<hbm>> -> memref<1000000x8xi32, #tpu.memory_space<hbm>>
      tpu.wait_indirect_dma semaphore(%arg13 : memref<!tpu.dma_semaphore, #tpu.memory_space<semaphore_mem>>) src(%dma_wait3A_316 : memref<1000000x8xi32, #tpu.memory_space<hbm>>) dst(%dma_wait3A_310 : memref<104x8xi32, #tpu.memory_space<vmem>>)
    }
    %scan3A_121 = arith.constant 16 : i32
    "tpu.region"() ({
      %run_scoped3A = tpu.sem_alloc : memref<!tpu.dma_semaphore, #tpu.memory_space<semaphore_mem>>
      %dma_start3A_122 = arith.constant 0 : i32
      %dma_start3A_123 = arith.constant 0 : i32
      %dma_start3A_124 = tpu.memref_slice %arg6[%mul3A_2, %dma_start3A_122, %dma_start3A_123] : memref<4096x104x8xi32, #tpu.memory_space<hbm>> -> memref<128x104x8xi32, #tpu.memory_space<hbm>>
      %dma_start3A_125 = arith.constant 0 : i32
      %dma_start3A_126 = arith.constant 0 : i32
      %dma_start3A_127 = tpu.memref_slice %arg6[%mul3A_2, %dma_start3A_125, %dma_start3A_126] : memref<4096x104x8xi32, #tpu.memory_space<hbm>> -> memref<128x104x8xi32, #tpu.memory_space<hbm>>
      tpu.enqueue_dma source(%arg11 : memref<128x104x8xi32, #tpu.memory_space<vmem>>) target(%dma_start3A_127 : memref<128x104x8xi32, #tpu.memory_space<hbm>>) target_semaphore(%run_scoped3A : memref<!tpu.dma_semaphore, #tpu.memory_space<semaphore_mem>>)
      %dma_wait3A_128 = arith.constant 0 : i32
      %dma_wait3A_129 = arith.constant 0 : i32
      %dma_wait3A_130 = tpu.memref_slice %arg6[%mul3A_2, %dma_wait3A_128, %dma_wait3A_129] : memref<4096x104x8xi32, #tpu.memory_space<hbm>> -> memref<128x104x8xi32, #tpu.memory_space<hbm>>
      %dma_wait3A_131 = arith.constant 0 : i32
      %dma_wait3A_132 = arith.constant 0 : i32
      %dma_wait3A_133 = tpu.memref_slice %arg6[%mul3A_2, %dma_wait3A_131, %dma_wait3A_132] : memref<4096x104x8xi32, #tpu.memory_space<hbm>> -> memref<128x104x8xi32, #tpu.memory_space<hbm>>
      tpu.wait_dma2 semaphore(%run_scoped3A : memref<!tpu.dma_semaphore, #tpu.memory_space<semaphore_mem>>) src(%arg11 : memref<128x104x8xi32, #tpu.memory_space<vmem>>) dst(%dma_wait3A_133 : memref<128x104x8xi32, #tpu.memory_space<hbm>>)
      tpu.yield
    }) : () -> ()
    return
  }
}

</mosaic_0001>

<sc_bundles>
// kernel: kernel.3.cloned.1.call-start
scs
__scs_entry_jumppad:
0x0: {  	(pc) =	sbr.rel $0x88, $3  }
0x1: {  	(tag) =	ssettag $0x0;
	lr =	simm.s32 $0x1  }
0x2: {  	[smem:$0x3F9E] =	sst lr;
	_ =	strace $0xD0000000  }
0x3: {  	_ = 	snop  }
0x4: {  	_ = 	snop  }
0x5: {  	_ = 	snop  }
0x6: {  	_ = 	snop  }
0x7: {  	_ = 	snop  }
__scs_overlays_trampoline_lowered:
0x8: {  	[smem:$0x3FAD] =	sst s0  }
0x9: {  	[smem:$0x3FAE] =	sst s1  }
0xa: {  	[smem:$0x3FAF] =	sst s2  }
0xb: {  	[smem:$0x3FB0] =	sst s3  }
0xc: {  	[smem:$0x3FB1] =	sst s4  }
0xd: {  	[smem:$0x3FB2] =	sst s5  }
0xe: {  	[smem:$0x3FB3] =	sst s6  }
0xf: {  	[smem:$0x3FB4] =	sst s7  }
0x10: {  	[smem:$0x3FB5] =	sst s8  }
0x11: {  	[smem:$0x3FB6] =	sst s9;
	s0 =	simm.s32 @!p0 $0x0  }
0x12: {  	s1 =	sld [smem:$0x3F9C];
	s0 =	simm.s32 @p0 $0x1  }
0x13: {  	[smem:$0x3FB7] =	sst s0;
	s0 =	simm.s32 @!p1 $0x0  }
0x14: {  	s2 =	sld [smem:$0x3F9B];
	s0 =	simm.s32 @p1 $0x1  }
0x15: {  	[smem:$0x3FB8] =	sst s0;
	s0 =	simm.s32 @!p2 $0x0  }
0x16: {  	s3 =	sld [smem:$0x3FDB];
	s0 =	simm.s32 @p2 $0x1  }
0x17: {  	s4 =	simm.s32 $0x1BF5;
	[smem:$0x3FBA] =	sst s0  }
0x18: {  	s0 =	sld [smem:$0x3F9D];
	_ =	swait.ge [sflag:s4], $0x0  }
0x19: {  	s7 =	sld [smem:$0x3F9E]  }
0x1a: {  	s8 =	sadd.s32 $0xFFFFE003, lr  }
0x1b: {  	s9 =	sadd.s32 $0xFFFFFEF7, lr;
	s5 =	simm.s32 $0xFFFFFFFF;
	p2 =	slt.u32 s8, $0xFFFFF086  }
0x1c: {  	p1 =	slt.u32 s9, $0xF7A;
	s5 =	simm.s32 @!p2 $0x0  }
0x1d: {  	s5 =	simm.s32 @p1 $0x1;
	p0 =	seq.s32 s7, s2  }
0x1e: {  	s7 =	smul.u32 @!p0 $0xF7A, s2;
	p2 =	seq.s32 @!p0 s5, $0x0  }
0x1f: {  	s9 =	smul.u32 $0xF7A, s1;
	s8 =	simm.s32 @!p0 $0x1BF5;
	p2 =	por !p2, p0  }
0x20: {  	[sflag:s8] =	ssyncset.s32 @!p0 $0xFFFFF086;
	s6 =	sadd.s32 @!p0 s3, s7;
	s7 =	simm.s32 @!p0 $0x108  }
0x21: {  	s3 =	sadd.s32 s3, s9;
	s6 =	sadd.s32 @!p0 $0x88, s6;
	s7 =	simm.s32 @p2 $0x1082  }
0x22: {  	[simem:s7], [sflag:s8] =	dma.local @!p0 [hbm:s6], $0xF7A  }
0x23: {  	s9 =	sor.u32 $0xD0000000, s2;
	s6 =	simm.s32 $0x108;
	_ =	swait.ge @!p0 [sflag:s8], $0x0  }
0x24: {  	s3 =	sadd.s32 $0x88, s3;
	s6 =	simm.s32 @!p1 $0x1082;
	[sflag:s4] =	ssyncset.s32 $0xFFFFF086  }
0x25: {  	[simem:s6], [sflag:s4] =	dma.local [hbm:s3], $0xF7A  }
0x26: {  	[smem:$0x3F9E] =	sst s1;
	(tag) =	ssettag s2;
	_ =	strace s9  }
0x27: {  	s1 =	sld [smem:$0x3FAE]  }
0x28: {  	s2 =	sld [smem:$0x3FAF]  }
0x29: {  	s4 =	sld [smem:$0x3FB1]  }
0x2a: {  	p0 =	seq.s32 s5, $0x0;
	s5 =	sld [smem:$0x3FB2]  }
0x2b: {  	s6 =	sld [smem:$0x3FB3]  }
0x2c: {  	s7 =	sld [smem:$0x3FB4]  }
0x2d: {  	s3 =	simm.s32 $0x108;
	s8 =	sld [smem:$0x3FB5]  }
0x2e: {  	s3 =	simm.s32 @!p0 $0x1082;
	s9 =	sld [smem:$0x3FB6]  }
0x2f: {  	lr =	sadd.s32 s0, s3;
	s0 =	sld [smem:$0x3FAD]  }
0x30: {  	s3 =	sld [smem:$0x3FB0]  }
0x31: {  	[smem:$0x3FB9] =	sst s10  }
0x32: {  	s10 =	sld [smem:$0x3FB7];
	_ =	sdelay $0x3  }
0x33: {  	p0 =	seq.s32 s10, $0x1;
	s10 =	sld [smem:$0x3FB9];
	_ =	sdelay $0x3  }
0x34: {  	[smem:$0x3FB9] =	sst s10  }
0x35: {  	s10 =	sld [smem:$0x3FB8];
	_ =	sdelay $0x3  }
0x36: {  	p1 =	seq.s32 s10, $0x1;
	s10 =	sld [smem:$0x3FB9];
	_ =	sdelay $0x3  }
0x37: {  	[smem:$0x3FB9] =	sst s10  }
0x38: {  	s10 =	sld [smem:$0x3FBA]  }
0x39: {  	_ = 	snop;
	(pc) =	sbr.ind lr, $3  }
0x3a: {  	_ = 	snop  }
0x3b: {  	_ = 	snop  }
0x3c: {  	p2 =	seq.s32 s10, $0x1;
	s10 =	sld [smem:$0x3FB9]  }
0x3d: {  	_ =	shalt  }
0x3e: {  	_ =	shalt  }
0x3f: {  	_ =	shalt  }
0x40: {  	_ =	shalt  }
0x41: {  	_ =	shalt  }
0x42: {  	_ =	shalt  }
0x43: {  	_ =	shalt  }
0x44: {  	_ =	shalt  }
0x45: {  	_ =	shalt  }
0x46: {  	_ =	shalt  }
0x47: {  	_ =	shalt  }
0x48: {  	_ =	shalt  }
0x49: {  	_ =	shalt  }
0x4a: {  	_ =	shalt  }
0x4b: {  	_ =	shalt  }
0x4c: {  	_ =	shalt  }
0x4d: {  	_ =	shalt  }
0x4e: {  	_ =	shalt  }
0x4f: {  	_ =	shalt  }
0x50: {  	_ =	shalt  }
0x51: {  	_ =	shalt  }
0x52: {  	_ =	shalt  }
0x53: {  	_ =	shalt  }
0x54: {  	_ =	shalt  }
0x55: {  	_ =	shalt  }
0x56: {  	_ =	shalt  }
0x57: {  	_ =	shalt  }
0x58: {  	_ =	shalt  }
0x59: {  	_ =	shalt  }
0x5a: {  	_ =	shalt  }
0x5b: {  	_ =	shalt  }
0x5c: {  	_ =	shalt  }
0x5d: {  	_ =	shalt  }
0x5e: {  	_ =	shalt  }
0x5f: {  	_ =	shalt  }
0x60: {  	_ =	shalt  }
0x61: {  	_ =	shalt  }
0x62: {  	_ =	shalt  }
0x63: {  	_ =	shalt  }
0x64: {  	_ =	shalt  }
0x65: {  	_ =	shalt  }
0x66: {  	_ =	shalt  }
0x67: {  	_ =	shalt  }
0x68: {  	_ =	shalt  }
0x69: {  	_ =	shalt  }
0x6a: {  	_ =	shalt  }
0x6b: {  	_ =	shalt  }
0x6c: {  	_ =	shalt  }
0x6d: {  	_ =	shalt  }
0x6e: {  	_ =	shalt  }
0x6f: {  	_ =	shalt  }
0x70: {  	_ =	shalt  }
0x71: {  	_ =	shalt  }
0x72: {  	_ =	shalt  }
0x73: {  	_ =	shalt  }
0x74: {  	_ =	shalt  }
0x75: {  	_ =	shalt  }
0x76: {  	_ =	shalt  }
0x77: {  	_ =	shalt  }
0x78: {  	_ =	shalt  }
0x79: {  	_ =	shalt  }
0x7a: {  	_ =	shalt  }
0x7b: {  	_ =	shalt  }
0x7c: {  	_ =	shalt  }
0x7d: {  	_ =	shalt  }
0x7e: {  	_ =	shalt  }
0x7f: {  	_ =	shalt  }
0x80: {  	_ =	shalt  }
0x81: {  	_ =	shalt  }
0x82: {  	_ =	shalt  }
0x83: {  	_ =	shalt  }
0x84: {  	_ =	shalt  }
0x85: {  	_ =	shalt  }
0x86: {  	_ =	shalt  }
0x87: {  	_ =	shalt  }
.Lfunc_end0:
.L_simem_size_0:
called_computation_lowered:
.L_overlay_start_0:
0x88: {  	s2 =	sld [smem:$0x3FD9]  }
0x89: {  	s3 =	sld [smem:$0x3FFE];
	_ =	sdelay $0x1  }
0x8a: {  	s1 =	srdreg.scid  }
0x8b: {  	s0 =	sand.u32 $0x1, s1  }
0x8c: {  	s17 =	sshll.u32 s0, $0xA;
	s2 =	sadd.s32 s3, s2  }
0x8d: {  	s2 =	sadd.s32 s2, s17  }
0x8e: {  	[smem:$0x3FC5] =	sst s2  }
0x8f: {  	_ = 	snop  }
0x90: {  	s2 =	sld [smem:$0x3FD0];
	(tm) =	ssettm $0x1  }
0x91: {  	s18 =	sld [smem:$0x3FFB];
	_ =	sdelay $0x3  }
0x92: {  	_ =	strace s18  }
0x93: {  	s3 =	sld [smem:$0x3FFC];
	_ =	sdelay $0x3  }
0x94: {  	_ =	strace s3  }
0x95: {  	s3 =	sld [smem:$0x3FFD];
	_ =	sdelay $0x3  }
0x96: {  	_ =	strace s3  }
0x97: {  	_ =	strace $0x8FFFFFFF  }
0x98: {  	s19 =	sld [smem:$0x3FDB];
	_ =	sdelay $0x1  }
0x99: {  	s4 =	simm.s32 $_scs_section_size  }
0x9a: {  	s5 =	simm.s32 $_size__tile_overlayer_lowered;
	s6 =	simm.s32 $_tile_overlayer_lowered  }
0x9b: {  	s22 =	simm.s32 $0x1BFF;
	s21 =	sshll.u32 s6, $0x1;
	s3 =	sadd.s32 s4, s19  }
0x9c: {  	s7 =	simm.s32 $0x0;
	s20 =	sshll.u32 s5, $0x1;
	s5 =	sadd.s32 s21, s3  }
0x9d: {  	[timem:s7], [sflag:s22] =	dma.local [hbm:s5], s20  }
0x9e: {  	_ =	swait.ge [sflag:s22], s20  }
0x9f: {  	s4 =	ssub.s32 $0x0, s20;
	[sflag:s22] =	ssyncset.done $0x0  }
0xa0: {  	[sflag:s22] =	ssyncadd.s32 s4;
	_ =	sdelay $0x1  }
0xa1: {  	s23 =	simm.s32 $0x1B8B  }
0xa2: {  	_ =	swait.ge [sflag:s23], $0x1  }
0xa3: {  	[sflag:s23] =	ssyncset.done $0x0  }
0xa4: {  	s25 =	simm.s32 $0x1B8E;
	s24 =	sld [smem:$0x3FFE];
	[sflag:s23] =	ssyncadd.s32 $0xFFFFFFFF  }
0xa5: {  	s26 =	simm.s32 $execute0_lowered;
	[smem:$0x3FD2] =	sst s25  }
0xa6: {  	s5 =	sshll.u32 s26, $0x1;
	_ =	strace $0x80000046;
	[dreg:$0x1] =	wrdreg $0xFFFFFFFF  }
0xa7: {  	s28 =	simm.s32 $_size_execute0_lowered;
	s3 =	sadd.s32 s3, s5;
	[dreg:$0x0] =	wrdreg $0x0  }
0xa8: {  	s5 =	sshll.u32 s28, $0x1;
	[dreg:$0x2] =	wrdreg s3  }
0xa9: {  	[dreg:$0x3] =	wrdreg s5  }
0xaa: {  	[dreg:$0x4] =	wrdreg $0xC0  }
0xab: {  	_ =	task [dreg:s7], $0x5FFFF  }
0xac: {  	[dreg:$0x1] =	wrdreg $0xFFFFFFFF  }
0xad: {  	[dreg:$0x0] =	wrdreg $0x60  }
0xae: {  	[dreg:$0x2] =	wrdreg s24  }
0xaf: {  	[dreg:$0x3] =	wrdreg s2  }
0xb0: {  	[dreg:$0x4] =	wrdreg $0x9  }
0xb1: {  	_ =	task.clear_ibuf [dreg:s7], $0x5FFFF;
	_ =	strace $0x90000046  }
0xb2: {  	s29 =	simm.s32 $0x9;
	_ =	strace $0x80000048  }
0xb3: {  	_ =	swait.ge [sflag:s29], $0x1  }
0xb4: {  	[sflag:s29] =	ssyncadd.s32 $0xFFFFFFFF  }
0xb5: {  	_ =	strace $0x90000048  }
0xb6: {  	_ =	sfence  }
0xb7: {  	s30 =	sld [smem:$0x0];
	_ =	sdelay $0x2  }
0xb8: {  	s31 =	sshll.u32 s1, $0xD;
	s1 =	sshrl.u32 s1, $0x2  }
0xb9: {  	s3 =	sand.u32 $0x4000, s31;
	s1 =	sadd.s32 s1, s30  }
0xba: {  	s0 =	sor.u32 s3, s0;
	s1 =	sshll.u32 s1, $0x11  }
0xbb: {  	s0 =	sor.u32 s1, s0  }
0xbc: {  	s0 =	sadd.s32 $0x8F2B, s0  }
0xbd: {  	[sflag:s0] =	ssyncadd.remote.s32 $0x1  }
0xbe: {  	_ =	sfence.sel $0xFFFF  }
0xbf: {  	[dreg:$0x0] =	wrdreg $0xFFFFFFFF;
	(pc) =	sbr.abs _section_cstart, $3  }
0xc0: {  	[dreg:$0x1] =	wrdreg $0xFFFFFFFF  }
0xc1: {  	_ =	task.clear_ibuf [dreg:s7], $0x2FFFF;
	_ =	strace $0x9FFFFFFF  }
0xc2: {  	(tm) =	ssettm $0x7FFFFFFF  }
0xc3: {  	_ =	shalt  }
tec
execute0_lowered:
.L_overlay_start_1:
0x0: {  	(tag) =	ssettag $0x1  }
0x1: {  	s5 =	rddreg [dreg:$0x0]  }
0x2: {  	s2 =	rddreg [dreg:$0x1]  }
0x3: {  	s0 =	rddreg [dreg:$0x2]  }
0x4: {  	s4 =	srdreg.scid;
	s3 =	simm.s32 $0x0;
	s1 =	stileid.u32  }
0x5: {  	s11 =	simm.s32 $0x100;
	s12 =	simm.s32 $0x180;
	s13 =	simm.s32 $0x1  }
0x6: {  	s14 =	simm.s32 $0x68;
	s15 =	simm.s32 $0x2;
	s16 =	simm.s32 $0x3580  }
0x7: {  	s17 =	simm.s32 $0x0;
	s4 =	sand.u32 $0x1, s4;
	[smem:$0x7FF] =	sst s3  }
0x8: {  	s6 =	sshll.u32 s1, $0x8;
	s7 =	sshll.u32 s4, $0x7;
	_ =	strace $0x80000047  }
0x9: {  	s8 =	ssub.s32 $0x2, s4;
	s4 =	sadd.s32 $0xE00, s5;
	s6 =	sor.u32 s7, s6  }
0xa: {  	s9 =	sshrl.u32 s8, $0x1;
	s7 =	sshrl.u32 s6, $0x3;
	s6 =	smul.u32 $0x68, s6  }
0xb: {  	s8 =	ssub.s32 s8, s9;
	s9 =	simm.s32 $0x3;
	s7 =	sadd.s32 s7, s5  }
0xc: {  	s8 =	smax.u32 s8, $0x1;
	s10 =	sadd.s32 s6, s5;
	s5 =	sadd.s32 $0xC00, s7  }
0xd: {  	s6 =	sadd.s32 $0xA00, s7;
	s7 =	sadd.s32 $0xF5200, s10;
	s10 =	simm.s32 $0x80  }
.LBB2_1:
0xe: {  	[tilespmem:s3], [sflag:$0x3] =	stream.linear.gather [hbm4b:s5+s3], $0x80, $0x38;
	[tilespmem:$0x1D580] =	vst v63  }
0xf: {  	_ =	swait.ge [sflag:s9], $0x80  }
0x10: {  	[sflag:s9] =	ssyncset.done $0x0  }
0x11: {  	[sflag:s9] =	ssyncadd.s32 $0xFFFFFF80  }
0x12: {  	[tilespmem:s10], [sflag:$0x3] =	stream.linear.gather [hbm4b:s6+s3], $0x80, $0x38;
	[tilespmem:$0x1D580] =	vst v63  }
0x13: {  	_ =	swait.ge [sflag:s9], $0x80  }
0x14: {  	[sflag:s9] =	ssyncset.done $0x0  }
0x15: {  	[sflag:s9] =	ssyncadd.s32 $0xFFFFFF80  }
0x16: {  	v0 =	vld [tilespmem:$0x0]  }
0x17: {  	v1 =	vld [tilespmem:$0x80]  }
0x18: {  	v2 =	vld [tilespmem:$0x10]  }
0x19: {  	v3 =	vld [tilespmem:$0x90]  }
0x1a: {  	v4 =	vld [tilespmem:$0x20]  }
0x1b: {  	v5 =	vld [tilespmem:$0xA0]  }
0x1c: {  	v6 =	vld [tilespmem:$0x30]  }
0x1d: {  	v7 =	vld [tilespmem:$0xB0]  }
0x1e: {  	v8 =	vld [tilespmem:$0x40]  }
0x1f: {  	v9 =	vld [tilespmem:$0xC0]  }
0x20: {  	v10 =	vld [tilespmem:$0x50]  }
0x21: {  	v11 =	vld [tilespmem:$0xD0];
	v0 =	vmul.u32 $0x64, v0  }
0x22: {  	v12 =	vld [tilespmem:$0x60];
	v2 =	vmul.u32 $0x64, v2  }
0x23: {  	v49 =	vld [tilespmem:$0x70];
	v48 =	vmul.u32 $0x64, v4;
	v0 =	vadd.s32 v1, v0  }
0x24: {  	v52 =	vld [tilespmem:$0xE0];
	v51 =	vmul.u32 $0x64, v6;
	v50 =	vadd.s32 v3, v2;
	[tilespmem:$0x100] =	vst v0  }
0x25: {  	v55 =	vld [tilespmem:$0xF0];
	v54 =	vmul.u32 $0x64, v8;
	v53 =	vadd.s32 v5, v48;
	[tilespmem:$0x110] =	vst v50  }
0x26: {  	v57 =	vmul.u32 $0x64, v10;
	v56 =	vadd.s32 v7, v51;
	[tilespmem:$0x120] =	vst v53  }
0x27: {  	v59 =	vmul.u32 $0x64, v12;
	v58 =	vadd.s32 v9, v54;
	[tilespmem:$0x130] =	vst v56  }
0x28: {  	v61 =	vmul.u32 $0x64, v49;
	v60 =	vadd.s32 v11, v57;
	[tilespmem:$0x140] =	vst v58  }
0x29: {  	v62 =	vadd.s32 v52, v59;
	[tilespmem:$0x150] =	vst v60  }
0x2a: {  	v63 =	vadd.s32 v55, v61;
	[tilespmem:$0x160] =	vst v62  }
0x2b: {  	[tilespmem:$0x170] =	vst v63  }
0x2c: {  	[tilespmem:s12], [sflag:$0x1] =	stream.indirect.gather [hbm4b:s2+s10], $0x68, s11, s10, $0xb8;
	[tilespmem:$0x1D580] =	vst v63  }
0x2d: {  	_ =	swait.ge [sflag:s13], $0x3400  }
0x2e: {  	[sflag:s13] =	ssyncset.done $0x0  }
0x2f: {  	s18 =	simm.s32 $0x180;
	[sflag:s13] =	ssyncadd.s32 $0xFFFFCC00  }
0x30: {  	[tilespmem:s16], [sflag:$0x2] =	stream.indirect.gather [hbm4b:s4+s14], $0x8, s18, s14, $0xb8;
	[tilespmem:$0x1D580] =	vst v63  }
0x31: {  	s31 =	simm.s32 $0x38C0;
	s19 =	simm.s32 $0x1E8  }
0x32: {  	[tilespmem:s31], [sflag:$0x2] =	stream.indirect.gather [hbm4b:s4+s14], $0x8, s19, s14, $0xb8;
	[tilespmem:$0x1D580] =	vst v63  }
0x33: {  	s20 =	simm.s32 $0x250;
	s19 =	simm.s32 $0x3C00  }
0x34: {  	[tilespmem:s19], [sflag:$0x2] =	stream.indirect.gather [hbm4b:s4+s14], $0x8, s20, s14, $0xb8;
	[tilespmem:$0x1D580] =	vst v63  }
0x35: {  	s21 =	simm.s32 $0x3F40;
	s22 =	simm.s32 $0x2B8  }
0x36: {  	[tilespmem:s21], [sflag:$0x2] =	stream.indirect.gather [hbm4b:s4+s14], $0x8, s22, s14, $0xb8;
	[tilespmem:$0x1D580] =	vst v63  }
0x37: {  	s23 =	simm.s32 $0x4280;
	s24 =	simm.s32 $0x320  }
0x38: {  	[tilespmem:s23], [sflag:$0x2] =	stream.indirect.gather [hbm4b:s4+s14], $0x8, s24, s14, $0xb8;
	[tilespmem:$0x1D580] =	vst v63  }
0x39: {  	s25 =	simm.s32 $0x45C0;
	s26 =	simm.s32 $0x388  }
0x3a: {  	[tilespmem:s25], [sflag:$0x2] =	stream.indirect.gather [hbm4b:s4+s14], $0x8, s26, s14, $0xb8;
	[tilespmem:$0x1D580] =	vst v63  }
0x3b: {  	s28 =	simm.s32 $0x4900;
	s29 =	simm.s32 $0x3F0  }
0x3c: {  	[tilespmem:s28], [sflag:$0x2] =	stream.indirect.gather [hbm4b:s4+s14], $0x8, s29, s14, $0xb8;
	[tilespmem:$0x1D580] =	vst v63  }
0x3d: {  	s30 =	simm.s32 $0x4C40;
	s31 =	simm.s32 $0x458  }
0x3e: {  	[tilespmem:s30], [sflag:$0x2] =	stream.indirect.gather [hbm4b:s4+s14], $0x8, s31, s14, $0xb8;
	[tilespmem:$0x1D580] =	vst v63  }
0x3f: {  	_ =	swait.ge [sflag:s15], $0x340  }
0x40: {  	[sflag:s15] =	ssyncset.done $0x0  }
0x41: {  	[sflag:s15] =	ssyncadd.s32 $0xFFFFFCC0  }
0x42: {  	_ =	swait.ge [sflag:s15], $0x340  }
0x43: {  	[sflag:s15] =	ssyncset.done $0x0  }
0x44: {  	[sflag:s15] =	ssyncadd.s32 $0xFFFFFCC0  }
0x45: {  	_ =	swait.ge [sflag:s15], $0x340  }
0x46: {  	[sflag:s15] =	ssyncset.done $0x0  }
0x47: {  	[sflag:s15] =	ssyncadd.s32 $0xFFFFFCC0  }
0x48: {  	_ =	swait.ge [sflag:s15], $0x340  }
0x49: {  	[sflag:s15] =	ssyncset.done $0x0  }
0x4a: {  	[sflag:s15] =	ssyncadd.s32 $0xFFFFFCC0  }
0x4b: {  	_ =	swait.ge [sflag:s15], $0x340  }
0x4c: {  	[sflag:s15] =	ssyncset.done $0x0  }
0x4d: {  	[sflag:s15] =	ssyncadd.s32 $0xFFFFFCC0  }
0x4e: {  	_ =	swait.ge [sflag:s15], $0x340  }
0x4f: {  	[sflag:s15] =	ssyncset.done $0x0  }
0x50: {  	[sflag:s15] =	ssyncadd.s32 $0xFFFFFCC0  }
0x51: {  	_ =	swait.ge [sflag:s15], $0x340  }
0x52: {  	[sflag:s15] =	ssyncset.done $0x0  }
0x53: {  	[sflag:s15] =	ssyncadd.s32 $0xFFFFFCC0  }
0x54: {  	s18 =	simm.s32 $0x4F80;
	_ =	swait.ge [sflag:s15], $0x340  }
0x55: {  	s22 =	simm.s32 $0x1A00;
	s21 =	simm.s32 $0x340;
	[sflag:s15] =	ssyncset.done $0x0  }
.LBB2_2:
0x56: {  	s23 =	sadd.s32 $0x180, s21  }
0x57: {  	[sflag:s15] =	ssyncadd.s32 $0xFFFFFCC0;
	s20 =	smov.u32 s22;
	s19 =	sadd.s32 $0xD00, s22  }
0x58: {  	[tilespmem:s18], [sflag:$0x2] =	stream.indirect.gather [hbm4b:s4+s14], $0x8, s23, s14, $0xb8;
	[tilespmem:$0x1D580] =	vst v63  }
0x59: {  	p0 =	sne.s32 s22, $0xC300;
	s22 =	sadd.s32 $0x340, s18;
	s23 =	sadd.s32 $0x1E8, s21  }
0x5a: {  	[tilespmem:s22], [sflag:$0x2] =	stream.indirect.gather [hbm4b:s4+s14], $0x8, s23, s14, $0xb8;
	[tilespmem:$0x1D580] =	vst v63  }
0x5b: {  	s22 =	sadd.s32 $0x680, s18;
	s23 =	sadd.s32 $0x250, s21  }
0x5c: {  	[tilespmem:s22], [sflag:$0x2] =	stream.indirect.gather [hbm4b:s4+s14], $0x8, s23, s14, $0xb8;
	[tilespmem:$0x1D580] =	vst v63  }
0x5d: {  	s22 =	sadd.s32 $0x9C0, s18;
	s23 =	sadd.s32 $0x2B8, s21  }
0x5e: {  	[tilespmem:s22], [sflag:$0x2] =	stream.indirect.gather [hbm4b:s4+s14], $0x8, s23, s14, $0xb8;
	[tilespmem:$0x1D580] =	vst v63  }
0x5f: {  	s22 =	sadd.s32 $0xD00, s18;
	s23 =	sadd.s32 $0x320, s21  }
0x60: {  	[tilespmem:s22], [sflag:$0x2] =	stream.indirect.gather [hbm4b:s4+s14], $0x8, s23, s14, $0xb8;
	[tilespmem:$0x1D580] =	vst v63  }
0x61: {  	s22 =	sadd.s32 $0x1040, s18;
	s23 =	sadd.s32 $0x388, s21  }
0x62: {  	[tilespmem:s22], [sflag:$0x2] =	stream.indirect.gather [hbm4b:s4+s14], $0x8, s23, s14, $0xb8;
	[tilespmem:$0x1D580] =	vst v63  }
0x63: {  	s22 =	sadd.s32 $0x1380, s18;
	s23 =	sadd.s32 $0x3F0, s21  }
0x64: {  	[tilespmem:s22], [sflag:$0x2] =	stream.indirect.gather [hbm4b:s4+s14], $0x8, s23, s14, $0xb8;
	[tilespmem:$0x1D580] =	vst v63  }
0x65: {  	s21 =	sadd.s32 $0x458, s21;
	s22 =	sadd.s32 $0x16C0, s18  }
0x66: {  	[tilespmem:s22], [sflag:$0x2] =	stream.indirect.gather [hbm4b:s4+s14], $0x8, s21, s14, $0xb8;
	[tilespmem:$0x1D580] =	vst v63  }
0x67: {  	_ =	swait.ge [sflag:s15], $0x340  }
0x68: {  	[sflag:s15] =	ssyncset.done $0x0  }
0x69: {  	[sflag:s15] =	ssyncadd.s32 $0xFFFFFCC0  }
0x6a: {  	_ =	swait.ge [sflag:s15], $0x340  }
0x6b: {  	[sflag:s15] =	ssyncset.done $0x0  }
0x6c: {  	[sflag:s15] =	ssyncadd.s32 $0xFFFFFCC0  }
0x6d: {  	_ =	swait.ge [sflag:s15], $0x340  }
0x6e: {  	[sflag:s15] =	ssyncset.done $0x0  }
0x6f: {  	[sflag:s15] =	ssyncadd.s32 $0xFFFFFCC0  }
0x70: {  	_ =	swait.ge [sflag:s15], $0x340  }
0x71: {  	[sflag:s15] =	ssyncset.done $0x0  }
0x72: {  	[sflag:s15] =	ssyncadd.s32 $0xFFFFFCC0  }
0x73: {  	_ =	swait.ge [sflag:s15], $0x340  }
0x74: {  	[sflag:s15] =	ssyncset.done $0x0  }
0x75: {  	[sflag:s15] =	ssyncadd.s32 $0xFFFFFCC0  }
0x76: {  	_ =	swait.ge [sflag:s15], $0x340  }
0x77: {  	[sflag:s15] =	ssyncset.done $0x0  }
0x78: {  	[sflag:s15] =	ssyncadd.s32 $0xFFFFFCC0  }
.Ltmp0:
0x79: {  	_ =	swait.ge [sflag:s15], $0x340;
	(pc) =	sbr.rel @p0 .LBB2_2-.Ltmp0, $4  }
0x7a: {  	[sflag:s15] =	ssyncset.done $0x0  }
0x7b: {  	[sflag:s15] =	ssyncadd.s32 $0xFFFFFCC0  }
0x7c: {  	s18 =	sadd.s32 $0x1A00, s18;
	_ =	swait.ge [sflag:s15], $0x340  }
0x7d: {  	s21 =	sshra.s32 s20, $0x2;
	s22 =	smov.u32 s19;
	[sflag:s15] =	ssyncset.done $0x0  }
0x7e: {  	s19 =	sadd.s32 $0x180, s21;
	[sflag:s15] =	ssyncadd.s32 $0xFFFFFCC0  }
0x7f: {  	[tilespmem:s18], [sflag:$0x2] =	stream.indirect.gather [hbm4b:s4+s14], $0x8, s19, s14, $0xb8;
	[tilespmem:$0x1D580] =	vst v63  }
0x80: {  	s29 =	sadd.s32 $0x340, s18;
	s20 =	sadd.s32 $0x1E8, s21  }
0x81: {  	[tilespmem:s29], [sflag:$0x2] =	stream.indirect.gather [hbm4b:s4+s14], $0x8, s20, s14, $0xb8;
	[tilespmem:$0x1D580] =	vst v63  }
0x82: {  	s30 =	sadd.s32 $0x680, s18;
	s31 =	sadd.s32 $0x250, s21  }
0x83: {  	[tilespmem:s30], [sflag:$0x2] =	stream.indirect.gather [hbm4b:s4+s14], $0x8, s31, s14, $0xb8;
	[tilespmem:$0x1D580] =	vst v63  }
0x84: {  	s22 =	sadd.s32 $0x2B8, s21;
	s20 =	sadd.s32 $0x9C0, s18  }
0x85: {  	[tilespmem:s20], [sflag:$0x2] =	stream.indirect.gather [hbm4b:s4+s14], $0x8, s22, s14, $0xb8;
	[tilespmem:$0x1D580] =	vst v63  }
0x86: {  	s23 =	sadd.s32 $0xD00, s18;
	s24 =	sadd.s32 $0x320, s21  }
0x87: {  	[tilespmem:s23], [sflag:$0x2] =	stream.indirect.gather [hbm4b:s4+s14], $0x8, s24, s14, $0xb8;
	[tilespmem:$0x1D580] =	vst v63  }
0x88: {  	s25 =	sadd.s32 $0x1040, s18;
	s26 =	sadd.s32 $0x388, s21  }
0x89: {  	[tilespmem:s25], [sflag:$0x2] =	stream.indirect.gather [hbm4b:s4+s14], $0x8, s26, s14, $0xb8;
	[tilespmem:$0x1D580] =	vst v63  }
0x8a: {  	s28 =	sadd.s32 $0x1380, s18;
	s29 =	sadd.s32 $0x3F0, s21  }
0x8b: {  	[tilespmem:s28], [sflag:$0x2] =	stream.indirect.gather [hbm4b:s4+s14], $0x8, s29, s14, $0xb8;
	[tilespmem:$0x1D580] =	vst v63  }
0x8c: {  	s30 =	sadd.s32 $0x16C0, s18;
	s31 =	sadd.s32 $0x458, s21  }
0x8d: {  	[tilespmem:s30], [sflag:$0x2] =	stream.indirect.gather [hbm4b:s4+s14], $0x8, s31, s14, $0xb8;
	[tilespmem:$0x1D580] =	vst v63  }
0x8e: {  	_ =	swait.ge [sflag:s15], $0x340  }
0x8f: {  	[sflag:s15] =	ssyncset.done $0x0  }
0x90: {  	[sflag:s15] =	ssyncadd.s32 $0xFFFFFCC0  }
0x91: {  	_ =	swait.ge [sflag:s15], $0x340  }
0x92: {  	[sflag:s15] =	ssyncset.done $0x0  }
0x93: {  	[sflag:s15] =	ssyncadd.s32 $0xFFFFFCC0  }
0x94: {  	_ =	swait.ge [sflag:s15], $0x340  }
0x95: {  	[sflag:s15] =	ssyncset.done $0x0  }
0x96: {  	[sflag:s15] =	ssyncadd.s32 $0xFFFFFCC0  }
0x97: {  	_ =	swait.ge [sflag:s15], $0x340  }
0x98: {  	[sflag:s15] =	ssyncset.done $0x0  }
0x99: {  	[sflag:s15] =	ssyncadd.s32 $0xFFFFFCC0  }
0x9a: {  	_ =	swait.ge [sflag:s15], $0x340  }
0x9b: {  	[sflag:s15] =	ssyncset.done $0x0  }
0x9c: {  	[sflag:s15] =	ssyncadd.s32 $0xFFFFFCC0  }
0x9d: {  	_ =	swait.ge [sflag:s15], $0x340  }
0x9e: {  	[sflag:s15] =	ssyncset.done $0x0  }
0x9f: {  	[sflag:s15] =	ssyncadd.s32 $0xFFFFFCC0  }
0xa0: {  	_ =	swait.ge [sflag:s15], $0x340  }
0xa1: {  	[sflag:s15] =	ssyncset.done $0x0  }
0xa2: {  	[sflag:s15] =	ssyncadd.s32 $0xFFFFFCC0  }
0xa3: {  	s17 =	sadd.s32 $0x1, s17;
	_ =	swait.ge [sflag:s15], $0x340  }
0xa4: {  	p0 =	sne.s32 s17, s8;
	[sflag:s15] =	ssyncset.done $0x0  }
.Ltmp1:
0xa5: {  	[sflag:s15] =	ssyncadd.s32 $0xFFFFFCC0;
	(pc) =	sbr.rel @p0 .LBB2_1-.Ltmp1, $4  }
0xa6: {  	[hbm4b:s7+s3] =	stream.linear.scatter [tilespmem:s16], [sflag:$0x3], $0x1A000, $0x38;
	[tilespmem:$0x1D580] =	vst v63  }
0xa7: {  	_ =	swait.ge [sflag:s9], $0x1A000  }
0xa8: {  	[sflag:s9] =	ssyncset.done $0x0  }
0xa9: {  	[sflag:s9] =	ssyncadd.s32 $0xFFFE6000  }
0xaa: {  	_ =	sfence.sel $0x180000  }
0xab: {  	[bflag:$0x0] =	sbarrier.arrive $0xFFFF  }
0xac: {  	p0 =	sne.s32 s1, $0x0;
	_ =	strace $0x90000047  }
0xad: {  	s0 =	sadd.s32 @!p0 $0x100000, s0;
	[bflag:$0x2] =	sbarrier.arrive $0xFFFF  }
0xae: {  	[sflag:s0] =	ssyncadd.tile.s32 @!p0 $0x1;
	_ =	shalt  }
.Lfunc_end2:
_tile_overlayer_lowered:
.L_overlay_start_2:
0xaf: {  	(tag) =	ssettag $0x2  }
0xb0: {  	s0 =	rddreg [dreg:$0x0];
	s2 =	stileid.u32  }
0xb1: {  	s1 =	rddreg [dreg:$0x1];
	p0 =	sne.s32 s2, $0x0  }
0xb2: {  	s3 =	rddreg [dreg:$0x2];
	[bflag:$0x3] =	sbarrier.arrive $0xFFFF;
	s2 =	simm.s32 @!p0 $0x1C03  }
0xb3: {  	[timem:s3], [sflag:s2] =	dma.local @!p0 [hbm:s0], s1  }
0xb4: {  	s0 =	simm.s32 @!p0 $0x3  }
0xb5: {  	_ =	swait.ge @!p0 [sflag:s0], s1  }
0xb6: {  	s1 =	ssub.s32 @!p0 $0x0, s1;
	[sflag:s0] =	ssyncset.done @!p0 $0x0  }
0xb7: {  	[sflag:s0] =	ssyncadd.s32 @!p0 s1  }
0xb8: {  	[bflag:$0x3] =	sbarrier.arrive $0xFFFF  }
0xb9: {  	_ =	shalt  }

</sc_bundles>
